<compile_context>
chip_gen: v7x
topology: tpu7x:2x2x1
jax: 0.10.2.dev20260603
libtpu: 0.0.44.dev20260713+nightly
codegen_flags: <defaults>
</compile_context>

<pallas_src>
import functools

import jax
import jax.numpy as jnp
import numpy as np
from jax import lax
from jax.experimental import pallas as pl
from jax.experimental.pallas import tpu as pltpu
from jax.experimental.pallas import tpu_sc as plsc

_N_LEVELS = 65536
_LANES = 16
_BASIS_ROW = np.ascontiguousarray(
    ((2.0 ** np.arange(16, dtype=np.float64)) / (2.0 ** 16)).astype(np.float32)[None, :]
)
_I8 = np.eye(8, dtype=np.float32)
_I4 = np.eye(4, dtype=np.float32)


def _table_body(x_ref, w1_ref, b1_ref, w2_ref, b2_ref, w3_ref, b3_ref, w4_ref,
                b4_ref, i8_ref, i4_ref, basis_ref, out_ref, idx_ref):
    xv = x_ref[...]
    t = (xv * 65536.0 + 65535.0) * 0.5 + 0.5
    k0 = jnp.clip(t.astype(jnp.int32), 0, _N_LEVELS - 1)
    km = jnp.maximum(k0 - 1, 0)
    kp = jnp.minimum(k0 + 1, _N_LEVELS - 1)
    dm = jnp.abs(xv - (km * 2 - 65535).astype(jnp.float32) * (1.0 / 65536.0))
    dc = jnp.abs(xv - (k0 * 2 - 65535).astype(jnp.float32) * (1.0 / 65536.0))
    dp = jnp.abs(xv - (kp * 2 - 65535).astype(jnp.float32) * (1.0 / 65536.0))
    idx_ref[...] = jnp.where((dm <= dc) & (dm <= dp), km,
                             jnp.where(dc <= dp, k0, kp))
    jshift = lax.broadcasted_iota(jnp.int32, (16, 1), 0)
    i = lax.broadcasted_iota(jnp.int32, (16, _N_LEVELS), 1)
    signbit = (~i << (31 - jshift)) & jnp.int32(-2147483648)
    bits_t = lax.bitcast_convert_type(signbit | jnp.int32(0x3F800000),
                                      jnp.float32)
    b1c = jax.lax.dot_general(i8_ref[...], b1_ref[...].reshape(1, 8),
                              (((1,), (1,)), ((), ())),
                              preferred_element_type=jnp.float32)
    b2c = jax.lax.dot_general(i4_ref[...], b2_ref[...].reshape(1, 4),
                              (((1,), (1,)), ((), ())),
                              preferred_element_type=jnp.float32)
    h = jnp.maximum(
        jnp.dot(w1_ref[...], bits_t, preferred_element_type=jnp.float32)
        + b1c, 0.0)
    z = jnp.dot(w2_ref[...], h, preferred_element_type=jnp.float32) + b2c
    s = jnp.sign(z)
    basis = basis_ref[...]
    bh = jnp.maximum(
        jax.lax.dot_general(basis, w3_ref[...], (((1,), (1,)), ((), ())),
                            preferred_element_type=jnp.float32)
        + b3_ref[...].reshape(1, 8), 0.0)
    xb = 1.0 / (1.0 + jnp.exp(
        -(jax.lax.dot_general(bh, w4_ref[...], (((1,), (1,)), ((), ())),
                              preferred_element_type=jnp.float32)
          + b4_ref[...].reshape(1, 4))))
    tab = jnp.dot(xb, s, preferred_element_type=jnp.float32)
    out_ref[...] = tab.reshape(_N_LEVELS)


def _table_and_idx(x, W1, b1, W2, b2, W3, b3, W4, b4):
    return pl.pallas_call(
        _table_body,
        out_shape=(jax.ShapeDtypeStruct((_N_LEVELS,), jnp.float32),
                   jax.ShapeDtypeStruct(x.shape, jnp.int32)),
    )(x, W1, b1, W2, b2, W3, b3, W4, b4,
      jnp.asarray(_I8), jnp.asarray(_I4), jnp.asarray(_BASIS_ROW))


def _sc_lookup(idx, table):
    info = plsc.get_sparse_core_info()
    num_cores = info.num_cores
    nw = info.num_cores * info.num_subcores
    nrow, ncol = idx.shape
    assert nrow % nw == 0 and ncol % 128 == 0
    rpw = nrow // nw
    mesh = plsc.VectorSubcoreMesh(core_axis_name="c", subcore_axis_name="s")

    @functools.partial(
        pl.kernel,
        mesh=mesh,
        compiler_params=pltpu.CompilerParams(needs_layout_passes=False),
        out_type=jax.ShapeDtypeStruct((nrow, ncol), jnp.float32),
        scratch_types=[
            pltpu.VMEM((rpw, ncol), jnp.int32),
            pltpu.VMEM((rpw, ncol), jnp.float32),
            pltpu.SemaphoreType.DMA,
        ],
    )
    def _body(idx_hbm, tab_hbm, out_hbm, idx_v, out_v, sem):
        wid = lax.axis_index("s") * num_cores + lax.axis_index("c")
        base = wid * rpw
        pltpu.sync_copy(idx_hbm.at[pl.ds(base, rpw)], idx_v)
        copies = [
            pltpu.async_copy(tab_hbm.at[idx_v.at[r, pl.ds(c, 128)]],
                             out_v.at[r, pl.ds(c, 128)], sem)
            for r in range(rpw)
            for c in range(0, ncol, 128)
        ]
        for cp in copies:
            cp.wait()
        pltpu.sync_copy(out_v, out_hbm.at[pl.ds(base, rpw)])

    return _body(idx, table)


def kernel(x, W1, b1, W2, b2, W3, b3, W4, b4):
    table, idx = _table_and_idx(x, W1, b1, W2, b2, W3, b3, W4, b4)
    return _sc_lookup(idx, table)

# --- scband reference (transcript-rebuilt; emitter-appended) ---
"""Pipeline reference for scband-autoencoder-8693013807607 (READ-ONLY COPY).

The authoritative reference and input builder live on the scoring server;
editing this copy changes nothing except your own understanding.
"""

import jax, jax.numpy as jnp
import numpy as np

QBIT = 4


def _make_codebook():
    # level_codes[i, j] = bit j of i, mapped {0 -> -1, 1 -> +1}
    codes = (((np.arange(2 ** 16, dtype=np.int64)[:, None] >> np.arange(16, dtype=np.int64)[None, :]) & 1) * 2 - 1).astype(np.float32)
    # basis_16[j] = 2^j / 2^16
    basis = ((2.0 ** np.arange(16, dtype=np.float64)) / (2.0 ** 16)).astype(np.float32)
    levels = codes @ basis  # [65536]
    return jnp.asarray(codes), jnp.asarray(basis), jnp.asarray(levels)


def setup_inputs(seed: int = 0) -> dict:
    key = jax.random.key(seed)
    ks = jax.random.split(key, 5)
    x = jax.random.uniform(ks[0], (128, 256), dtype=jnp.float32)

    def lin(k, out_f, in_f):
        bound = 1.0 / float(np.sqrt(in_f))
        kw, kb = jax.random.split(k)
        W = jax.random.uniform(kw, (out_f, in_f), minval=-bound, maxval=bound, dtype=jnp.float32)
        b = jax.random.uniform(kb, (out_f,), minval=-bound, maxval=bound, dtype=jnp.float32)
        return W, b

    W1, b1 = lin(ks[1], 8, 16)      # encoder Linear(16, 8)
    W2, b2 = lin(ks[2], QBIT, 8)    # encoder Linear(8, qbit)
    W3, b3 = lin(ks[3], 8, 16)      # decoder Linear(16, 8)
    W4, b4 = lin(ks[4], QBIT, 8)    # decoder Linear(8, qbit)
    return {"x": x, "W1": W1, "b1": b1, "W2": W2, "b2": b2,
            "W3": W3, "b3": b3, "W4": W4, "b4": b4}


def _nearest_index(flat, levels, chunk=1024):
    # index = argmin_j |x - levels[j]|, computed in chunks to bound memory
    n = flat.shape[0]
    outs = []
    for s in range(0, n, chunk):
        c = flat[s:s + chunk]
        d = jnp.abs(c[:, None] - levels[None, :])  # [chunk, 65536]
        outs.append(jnp.argmin(d, axis=-1))
    return jnp.concatenate(outs, axis=0)


def reference(x, W1, b1, W2, b2, W3, b3, W4, b4):
    codes, basis16, levels = _make_codebook()
    a = x.shape
    idx = _nearest_index(x.reshape(-1), levels)          # [N]
    # bits_y[axi] = level_codes[index[axi]] over the full meshgrid == direct gather
    bits = jnp.take(codes, idx, axis=0)                  # [N, 16]
    # encoder
    h = jax.nn.relu(bits @ W1.T + b1)
    code = jnp.tanh(h @ W2.T + b2)
    code_s = jnp.sign(code)                              # x_sign forward = sign
    # decoder applied to basis_16
    bh = jax.nn.relu(basis16 @ W3.T + b3)
    x_basis = jax.nn.sigmoid(bh @ W4.T + b4)             # [qbit]
    out = (code_s @ x_basis).reshape(a)
    return out

if __name__ == "__main__":
    import jax
    _d = setup_inputs()
    print(jax.jit(kernel)(*tuple(_d.values())))

</pallas_src>

<mosaic_0001>
#map = affine_map<(d0, d1) -> (0, 0)>
#map1 = affine_map<(d0, d1) -> (0)>
module attributes {stable_mosaic.version = 14 : i64} {
  func.func @_body(%arg0: i32, %arg1: i32, %arg2: memref<128x256xi32, #tpu.memory_space<hbm>>, %arg3: memref<65536xf32, #tpu.memory_space<hbm>>, %arg4: memref<128x256xf32, #tpu.memory_space<hbm>>, %arg5: memref<4x256xi32, #tpu.memory_space<vmem>>, %arg6: memref<4x256xf32, #tpu.memory_space<vmem>>, %arg7: memref<!tpu.dma_semaphore, #tpu.memory_space<semaphore_mem>>) attributes {dimension_semantics = [#tpu.dimension_semantics<core_parallel>, #tpu.dimension_semantics<subcore_parallel>], iteration_bounds = array<i64: 2, 16>, scalar_prefetch = 0 : i64, scratch_operands = 3 : i64, tpu.core_type = #tpu.core_type<sc_vector_subcore>, window_params = [{transform_indices = #map}, {transform_indices = #map1}, {transform_indices = #map}]} {
    %mul3A = arith.constant 2 : i32
    %mul3A_0 = arith.muli %arg1, %mul3A : i32
    %add3A = arith.addi %mul3A_0, %arg0 : i32
    %mul3A_1 = arith.constant 4 : i32
    %mul3A_2 = arith.muli %add3A, %mul3A_1 : i32
    "tpu.region"() ({
      %run_scoped3A = tpu.sem_alloc : memref<!tpu.dma_semaphore, #tpu.memory_space<semaphore_mem>>
      %dma_start3A_161 = arith.constant 0 : i32
      %dma_start3A_162 = tpu.memref_slice %arg2[%mul3A_2, %dma_start3A_161] : memref<128x256xi32, #tpu.memory_space<hbm>> -> memref<4x256xi32, #tpu.memory_space<hbm>>
      %dma_start3A_163 = arith.constant 0 : i32
      %dma_start3A_164 = tpu.memref_slice %arg2[%mul3A_2, %dma_start3A_163] : memref<128x256xi32, #tpu.memory_space<hbm>> -> memref<4x256xi32, #tpu.memory_space<hbm>>
      tpu.enqueue_dma source(%dma_start3A_164 : memref<4x256xi32, #tpu.memory_space<hbm>>) target(%arg5 : memref<4x256xi32, #tpu.memory_space<vmem>>) target_semaphore(%run_scoped3A : memref<!tpu.dma_semaphore, #tpu.memory_space<semaphore_mem>>)
      %dma_wait3A_165 = arith.constant 0 : i32
      %dma_wait3A_166 = tpu.memref_slice %arg2[%mul3A_2, %dma_wait3A_165] : memref<128x256xi32, #tpu.memory_space<hbm>> -> memref<4x256xi32, #tpu.memory_space<hbm>>
      %dma_wait3A_167 = arith.constant 0 : i32
      %dma_wait3A_168 = tpu.memref_slice %arg2[%mul3A_2, %dma_wait3A_167] : memref<128x256xi32, #tpu.memory_space<hbm>> -> memref<4x256xi32, #tpu.memory_space<hbm>>
      tpu.wait_dma2 semaphore(%run_scoped3A : memref<!tpu.dma_semaphore, #tpu.memory_space<semaphore_mem>>) src(%dma_wait3A_168 : memref<4x256xi32, #tpu.memory_space<hbm>>) dst(%arg5 : memref<4x256xi32, #tpu.memory_space<vmem>>)
      tpu.yield
    }) : () -> ()
    %dma_start3A = arith.constant 0 : i32
    %dma_start3A_3 = arith.constant 0 : i32
    %dma_start3A_4 = arith.constant 0 : i32
    %dma_start3A_5 = tpu.memref_slice %arg6[%dma_start3A_3, %dma_start3A_4] : memref<4x256xf32, #tpu.memory_space<vmem>> -> memref<1x128xf32, #tpu.memory_space<vmem>>
    %dma_start3A_6 = tpu.memref_squeeze %dma_start3A_5 : memref<1x128xf32, #tpu.memory_space<vmem>> -> memref<128xf32, #tpu.memory_space<vmem>>
    %dma_start3A_7 = arith.constant 0 : i32
    %dma_start3A_8 = tpu.memref_slice %arg5[%dma_start3A, %dma_start3A_7] : memref<4x256xi32, #tpu.memory_space<vmem>> -> memref<1x128xi32, #tpu.memory_space<vmem>>
    %dma_start3A_9 = tpu.memref_squeeze %dma_start3A_8 : memref<1x128xi32, #tpu.memory_space<vmem>> -> memref<128xi32, #tpu.memory_space<vmem>>
    %dma_start3A_10 = arith.constant 0 : i32
    %dma_start3A_11 = tpu.memref_slice %arg3[%dma_start3A_10] : memref<65536xf32, #tpu.memory_space<hbm>> -> memref<65536xf32, #tpu.memory_space<hbm>>
    tpu.enqueue_indirect_dma source(%dma_start3A_11 : memref<65536xf32, #tpu.memory_space<hbm>>) target(%dma_start3A_6 : memref<128xf32, #tpu.memory_space<vmem>>) offsets(%dma_start3A_9 : memref<128xi32, #tpu.memory_space<vmem>>) semaphore(%arg7 : memref<!tpu.dma_semaphore, #tpu.memory_space<semaphore_mem>>)
    %dma_start3A_12 = arith.constant 0 : i32
    %dma_start3A_13 = arith.constant 0 : i32
    %dma_start3A_14 = arith.constant 128 : i32
    %dma_start3A_15 = tpu.memref_slice %arg6[%dma_start3A_13, %dma_start3A_14] : memref<4x256xf32, #tpu.memory_space<vmem>> -> memref<1x128xf32, #tpu.memory_space<vmem>>
    %dma_start3A_16 = tpu.memref_squeeze %dma_start3A_15 : memref<1x128xf32, #tpu.memory_space<vmem>> -> memref<128xf32, #tpu.memory_space<vmem>>
    %dma_start3A_17 = arith.constant 128 : i32
    %dma_start3A_18 = tpu.memref_slice %arg5[%dma_start3A_12, %dma_start3A_17] : memref<4x256xi32, #tpu.memory_space<vmem>> -> memref<1x128xi32, #tpu.memory_space<vmem>>
    %dma_start3A_19 = tpu.memref_squeeze %dma_start3A_18 : memref<1x128xi32, #tpu.memory_space<vmem>> -> memref<128xi32, #tpu.memory_space<vmem>>
    %dma_start3A_20 = arith.constant 0 : i32
    %dma_start3A_21 = tpu.memref_slice %arg3[%dma_start3A_20] : memref<65536xf32, #tpu.memory_space<hbm>> -> memref<65536xf32, #tpu.memory_space<hbm>>
    tpu.enqueue_indirect_dma source(%dma_start3A_21 : memref<65536xf32, #tpu.memory_space<hbm>>) target(%dma_start3A_16 : memref<128xf32, #tpu.memory_space<vmem>>) offsets(%dma_start3A_19 : memref<128xi32, #tpu.memory_space<vmem>>) semaphore(%arg7 : memref<!tpu.dma_semaphore, #tpu.memory_space<semaphore_mem>>)
    %dma_start3A_22 = arith.constant 1 : i32
    %dma_start3A_23 = arith.constant 1 : i32
    %dma_start3A_24 = arith.constant 0 : i32
    %dma_start3A_25 = tpu.memref_slice %arg6[%dma_start3A_23, %dma_start3A_24] : memref<4x256xf32, #tpu.memory_space<vmem>> -> memref<1x128xf32, #tpu.memory_space<vmem>>
    %dma_start3A_26 = tpu.memref_squeeze %dma_start3A_25 : memref<1x128xf32, #tpu.memory_space<vmem>> -> memref<128xf32, #tpu.memory_space<vmem>>
    %dma_start3A_27 = arith.constant 0 : i32
    %dma_start3A_28 = tpu.memref_slice %arg5[%dma_start3A_22, %dma_start3A_27] : memref<4x256xi32, #tpu.memory_space<vmem>> -> memref<1x128xi32, #tpu.memory_space<vmem>>
    %dma_start3A_29 = tpu.memref_squeeze %dma_start3A_28 : memref<1x128xi32, #tpu.memory_space<vmem>> -> memref<128xi32, #tpu.memory_space<vmem>>
    %dma_start3A_30 = arith.constant 0 : i32
    %dma_start3A_31 = tpu.memref_slice %arg3[%dma_start3A_30] : memref<65536xf32, #tpu.memory_space<hbm>> -> memref<65536xf32, #tpu.memory_space<hbm>>
    tpu.enqueue_indirect_dma source(%dma_start3A_31 : memref<65536xf32, #tpu.memory_space<hbm>>) target(%dma_start3A_26 : memref<128xf32, #tpu.memory_space<vmem>>) offsets(%dma_start3A_29 : memref<128xi32, #tpu.memory_space<vmem>>) semaphore(%arg7 : memref<!tpu.dma_semaphore, #tpu.memory_space<semaphore_mem>>)
    %dma_start3A_32 = arith.constant 1 : i32
    %dma_start3A_33 = arith.constant 1 : i32
    %dma_start3A_34 = arith.constant 128 : i32
    %dma_start3A_35 = tpu.memref_slice %arg6[%dma_start3A_33, %dma_start3A_34] : memref<4x256xf32, #tpu.memory_space<vmem>> -> memref<1x128xf32, #tpu.memory_space<vmem>>
    %dma_start3A_36 = tpu.memref_squeeze %dma_start3A_35 : memref<1x128xf32, #tpu.memory_space<vmem>> -> memref<128xf32, #tpu.memory_space<vmem>>
    %dma_start3A_37 = arith.constant 128 : i32
    %dma_start3A_38 = tpu.memref_slice %arg5[%dma_start3A_32, %dma_start3A_37] : memref<4x256xi32, #tpu.memory_space<vmem>> -> memref<1x128xi32, #tpu.memory_space<vmem>>
    %dma_start3A_39 = tpu.memref_squeeze %dma_start3A_38 : memref<1x128xi32, #tpu.memory_space<vmem>> -> memref<128xi32, #tpu.memory_space<vmem>>
    %dma_start3A_40 = arith.constant 0 : i32
    %dma_start3A_41 = tpu.memref_slice %arg3[%dma_start3A_40] : memref<65536xf32, #tpu.memory_space<hbm>> -> memref<65536xf32, #tpu.memory_space<hbm>>
    tpu.enqueue_indirect_dma source(%dma_start3A_41 : memref<65536xf32, #tpu.memory_space<hbm>>) target(%dma_start3A_36 : memref<128xf32, #tpu.memory_space<vmem>>) offsets(%dma_start3A_39 : memref<128xi32, #tpu.memory_space<vmem>>) semaphore(%arg7 : memref<!tpu.dma_semaphore, #tpu.memory_space<semaphore_mem>>)
    %dma_start3A_42 = arith.constant 2 : i32
    %dma_start3A_43 = arith.constant 2 : i32
    %dma_start3A_44 = arith.constant 0 : i32
    %dma_start3A_45 = tpu.memref_slice %arg6[%dma_start3A_43, %dma_start3A_44] : memref<4x256xf32, #tpu.memory_space<vmem>> -> memref<1x128xf32, #tpu.memory_space<vmem>>
    %dma_start3A_46 = tpu.memref_squeeze %dma_start3A_45 : memref<1x128xf32, #tpu.memory_space<vmem>> -> memref<128xf32, #tpu.memory_space<vmem>>
    %dma_start3A_47 = arith.constant 0 : i32
    %dma_start3A_48 = tpu.memref_slice %arg5[%dma_start3A_42, %dma_start3A_47] : memref<4x256xi32, #tpu.memory_space<vmem>> -> memref<1x128xi32, #tpu.memory_space<vmem>>
    %dma_start3A_49 = tpu.memref_squeeze %dma_start3A_48 : memref<1x128xi32, #tpu.memory_space<vmem>> -> memref<128xi32, #tpu.memory_space<vmem>>
    %dma_start3A_50 = arith.constant 0 : i32
    %dma_start3A_51 = tpu.memref_slice %arg3[%dma_start3A_50] : memref<65536xf32, #tpu.memory_space<hbm>> -> memref<65536xf32, #tpu.memory_space<hbm>>
    tpu.enqueue_indirect_dma source(%dma_start3A_51 : memref<65536xf32, #tpu.memory_space<hbm>>) target(%dma_start3A_46 : memref<128xf32, #tpu.memory_space<vmem>>) offsets(%dma_start3A_49 : memref<128xi32, #tpu.memory_space<vmem>>) semaphore(%arg7 : memref<!tpu.dma_semaphore, #tpu.memory_space<semaphore_mem>>)
    %dma_start3A_52 = arith.constant 2 : i32
    %dma_start3A_53 = arith.constant 2 : i32
    %dma_start3A_54 = arith.constant 128 : i32
    %dma_start3A_55 = tpu.memref_slice %arg6[%dma_start3A_53, %dma_start3A_54] : memref<4x256xf32, #tpu.memory_space<vmem>> -> memref<1x128xf32, #tpu.memory_space<vmem>>
    %dma_start3A_56 = tpu.memref_squeeze %dma_start3A_55 : memref<1x128xf32, #tpu.memory_space<vmem>> -> memref<128xf32, #tpu.memory_space<vmem>>
    %dma_start3A_57 = arith.constant 128 : i32
    %dma_start3A_58 = tpu.memref_slice %arg5[%dma_start3A_52, %dma_start3A_57] : memref<4x256xi32, #tpu.memory_space<vmem>> -> memref<1x128xi32, #tpu.memory_space<vmem>>
    %dma_start3A_59 = tpu.memref_squeeze %dma_start3A_58 : memref<1x128xi32, #tpu.memory_space<vmem>> -> memref<128xi32, #tpu.memory_space<vmem>>
    %dma_start3A_60 = arith.constant 0 : i32
    %dma_start3A_61 = tpu.memref_slice %arg3[%dma_start3A_60] : memref<65536xf32, #tpu.memory_space<hbm>> -> memref<65536xf32, #tpu.memory_space<hbm>>
    tpu.enqueue_indirect_dma source(%dma_start3A_61 : memref<65536xf32, #tpu.memory_space<hbm>>) target(%dma_start3A_56 : memref<128xf32, #tpu.memory_space<vmem>>) offsets(%dma_start3A_59 : memref<128xi32, #tpu.memory_space<vmem>>) semaphore(%arg7 : memref<!tpu.dma_semaphore, #tpu.memory_space<semaphore_mem>>)
    %dma_start3A_62 = arith.constant 3 : i32
    %dma_start3A_63 = arith.constant 3 : i32
    %dma_start3A_64 = arith.constant 0 : i32
    %dma_start3A_65 = tpu.memref_slice %arg6[%dma_start3A_63, %dma_start3A_64] : memref<4x256xf32, #tpu.memory_space<vmem>> -> memref<1x128xf32, #tpu.memory_space<vmem>>
    %dma_start3A_66 = tpu.memref_squeeze %dma_start3A_65 : memref<1x128xf32, #tpu.memory_space<vmem>> -> memref<128xf32, #tpu.memory_space<vmem>>
    %dma_start3A_67 = arith.constant 0 : i32
    %dma_start3A_68 = tpu.memref_slice %arg5[%dma_start3A_62, %dma_start3A_67] : memref<4x256xi32, #tpu.memory_space<vmem>> -> memref<1x128xi32, #tpu.memory_space<vmem>>
    %dma_start3A_69 = tpu.memref_squeeze %dma_start3A_68 : memref<1x128xi32, #tpu.memory_space<vmem>> -> memref<128xi32, #tpu.memory_space<vmem>>
    %dma_start3A_70 = arith.constant 0 : i32
    %dma_start3A_71 = tpu.memref_slice %arg3[%dma_start3A_70] : memref<65536xf32, #tpu.memory_space<hbm>> -> memref<65536xf32, #tpu.memory_space<hbm>>
    tpu.enqueue_indirect_dma source(%dma_start3A_71 : memref<65536xf32, #tpu.memory_space<hbm>>) target(%dma_start3A_66 : memref<128xf32, #tpu.memory_space<vmem>>) offsets(%dma_start3A_69 : memref<128xi32, #tpu.memory_space<vmem>>) semaphore(%arg7 : memref<!tpu.dma_semaphore, #tpu.memory_space<semaphore_mem>>)
    %dma_start3A_72 = arith.constant 3 : i32
    %dma_start3A_73 = arith.constant 3 : i32
    %dma_start3A_74 = arith.constant 128 : i32
    %dma_start3A_75 = tpu.memref_slice %arg6[%dma_start3A_73, %dma_start3A_74] : memref<4x256xf32, #tpu.memory_space<vmem>> -> memref<1x128xf32, #tpu.memory_space<vmem>>
    %dma_start3A_76 = tpu.memref_squeeze %dma_start3A_75 : memref<1x128xf32, #tpu.memory_space<vmem>> -> memref<128xf32, #tpu.memory_space<vmem>>
    %dma_start3A_77 = arith.constant 128 : i32
    %dma_start3A_78 = tpu.memref_slice %arg5[%dma_start3A_72, %dma_start3A_77] : memref<4x256xi32, #tpu.memory_space<vmem>> -> memref<1x128xi32, #tpu.memory_space<vmem>>
    %dma_start3A_79 = tpu.memref_squeeze %dma_start3A_78 : memref<1x128xi32, #tpu.memory_space<vmem>> -> memref<128xi32, #tpu.memory_space<vmem>>
    %dma_start3A_80 = arith.constant 0 : i32
    %dma_start3A_81 = tpu.memref_slice %arg3[%dma_start3A_80] : memref<65536xf32, #tpu.memory_space<hbm>> -> memref<65536xf32, #tpu.memory_space<hbm>>
    tpu.enqueue_indirect_dma source(%dma_start3A_81 : memref<65536xf32, #tpu.memory_space<hbm>>) target(%dma_start3A_76 : memref<128xf32, #tpu.memory_space<vmem>>) offsets(%dma_start3A_79 : memref<128xi32, #tpu.memory_space<vmem>>) semaphore(%arg7 : memref<!tpu.dma_semaphore, #tpu.memory_space<semaphore_mem>>)
    %dma_wait3A = arith.constant 0 : i32
    %dma_wait3A_82 = arith.constant 0 : i32
    %dma_wait3A_83 = arith.constant 0 : i32
    %dma_wait3A_84 = tpu.memref_slice %arg6[%dma_wait3A_82, %dma_wait3A_83] : memref<4x256xf32, #tpu.memory_space<vmem>> -> memref<1x128xf32, #tpu.memory_space<vmem>>
    %dma_wait3A_85 = tpu.memref_squeeze %dma_wait3A_84 : memref<1x128xf32, #tpu.memory_space<vmem>> -> memref<128xf32, #tpu.memory_space<vmem>>
    %dma_wait3A_86 = arith.constant 0 : i32
    %dma_wait3A_87 = tpu.memref_slice %arg5[%dma_wait3A, %dma_wait3A_86] : memref<4x256xi32, #tpu.memory_space<vmem>> -> memref<1x128xi32, #tpu.memory_space<vmem>>
    %dma_wait3A_88 = tpu.memref_squeeze %dma_wait3A_87 : memref<1x128xi32, #tpu.memory_space<vmem>> -> memref<128xi32, #tpu.memory_space<vmem>>
    %dma_wait3A_89 = arith.constant 0 : i32
    %dma_wait3A_90 = tpu.memref_slice %arg3[%dma_wait3A_89] : memref<65536xf32, #tpu.memory_space<hbm>> -> memref<65536xf32, #tpu.memory_space<hbm>>
    tpu.wait_indirect_dma semaphore(%arg7 : memref<!tpu.dma_semaphore, #tpu.memory_space<semaphore_mem>>) src(%dma_wait3A_90 : memref<65536xf32, #tpu.memory_space<hbm>>) dst(%dma_wait3A_85 : memref<128xf32, #tpu.memory_space<vmem>>)
    %dma_wait3A_91 = arith.constant 0 : i32
    %dma_wait3A_92 = arith.constant 0 : i32
    %dma_wait3A_93 = arith.constant 128 : i32
    %dma_wait3A_94 = tpu.memref_slice %arg6[%dma_wait3A_92, %dma_wait3A_93] : memref<4x256xf32, #tpu.memory_space<vmem>> -> memref<1x128xf32, #tpu.memory_space<vmem>>
    %dma_wait3A_95 = tpu.memref_squeeze %dma_wait3A_94 : memref<1x128xf32, #tpu.memory_space<vmem>> -> memref<128xf32, #tpu.memory_space<vmem>>
    %dma_wait3A_96 = arith.constant 128 : i32
    %dma_wait3A_97 = tpu.memref_slice %arg5[%dma_wait3A_91, %dma_wait3A_96] : memref<4x256xi32, #tpu.memory_space<vmem>> -> memref<1x128xi32, #tpu.memory_space<vmem>>
    %dma_wait3A_98 = tpu.memref_squeeze %dma_wait3A_97 : memref<1x128xi32, #tpu.memory_space<vmem>> -> memref<128xi32, #tpu.memory_space<vmem>>
    %dma_wait3A_99 = arith.constant 0 : i32
    %dma_wait3A_100 = tpu.memref_slice %arg3[%dma_wait3A_99] : memref<65536xf32, #tpu.memory_space<hbm>> -> memref<65536xf32, #tpu.memory_space<hbm>>
    tpu.wait_indirect_dma semaphore(%arg7 : memref<!tpu.dma_semaphore, #tpu.memory_space<semaphore_mem>>) src(%dma_wait3A_100 : memref<65536xf32, #tpu.memory_space<hbm>>) dst(%dma_wait3A_95 : memref<128xf32, #tpu.memory_space<vmem>>)
    %dma_wait3A_101 = arith.constant 1 : i32
    %dma_wait3A_102 = arith.constant 1 : i32
    %dma_wait3A_103 = arith.constant 0 : i32
    %dma_wait3A_104 = tpu.memref_slice %arg6[%dma_wait3A_102, %dma_wait3A_103] : memref<4x256xf32, #tpu.memory_space<vmem>> -> memref<1x128xf32, #tpu.memory_space<vmem>>
    %dma_wait3A_105 = tpu.memref_squeeze %dma_wait3A_104 : memref<1x128xf32, #tpu.memory_space<vmem>> -> memref<128xf32, #tpu.memory_space<vmem>>
    %dma_wait3A_106 = arith.constant 0 : i32
    %dma_wait3A_107 = tpu.memref_slice %arg5[%dma_wait3A_101, %dma_wait3A_106] : memref<4x256xi32, #tpu.memory_space<vmem>> -> memref<1x128xi32, #tpu.memory_space<vmem>>
    %dma_wait3A_108 = tpu.memref_squeeze %dma_wait3A_107 : memref<1x128xi32, #tpu.memory_space<vmem>> -> memref<128xi32, #tpu.memory_space<vmem>>
    %dma_wait3A_109 = arith.constant 0 : i32
    %dma_wait3A_110 = tpu.memref_slice %arg3[%dma_wait3A_109] : memref<65536xf32, #tpu.memory_space<hbm>> -> memref<65536xf32, #tpu.memory_space<hbm>>
    tpu.wait_indirect_dma semaphore(%arg7 : memref<!tpu.dma_semaphore, #tpu.memory_space<semaphore_mem>>) src(%dma_wait3A_110 : memref<65536xf32, #tpu.memory_space<hbm>>) dst(%dma_wait3A_105 : memref<128xf32, #tpu.memory_space<vmem>>)
    %dma_wait3A_111 = arith.constant 1 : i32
    %dma_wait3A_112 = arith.constant 1 : i32
    %dma_wait3A_113 = arith.constant 128 : i32
    %dma_wait3A_114 = tpu.memref_slice %arg6[%dma_wait3A_112, %dma_wait3A_113] : memref<4x256xf32, #tpu.memory_space<vmem>> -> memref<1x128xf32, #tpu.memory_space<vmem>>
    %dma_wait3A_115 = tpu.memref_squeeze %dma_wait3A_114 : memref<1x128xf32, #tpu.memory_space<vmem>> -> memref<128xf32, #tpu.memory_space<vmem>>
    %dma_wait3A_116 = arith.constant 128 : i32
    %dma_wait3A_117 = tpu.memref_slice %arg5[%dma_wait3A_111, %dma_wait3A_116] : memref<4x256xi32, #tpu.memory_space<vmem>> -> memref<1x128xi32, #tpu.memory_space<vmem>>
    %dma_wait3A_118 = tpu.memref_squeeze %dma_wait3A_117 : memref<1x128xi32, #tpu.memory_space<vmem>> -> memref<128xi32, #tpu.memory_space<vmem>>
    %dma_wait3A_119 = arith.constant 0 : i32
    %dma_wait3A_120 = tpu.memref_slice %arg3[%dma_wait3A_119] : memref<65536xf32, #tpu.memory_space<hbm>> -> memref<65536xf32, #tpu.memory_space<hbm>>
    tpu.wait_indirect_dma semaphore(%arg7 : memref<!tpu.dma_semaphore, #tpu.memory_space<semaphore_mem>>) src(%dma_wait3A_120 : memref<65536xf32, #tpu.memory_space<hbm>>) dst(%dma_wait3A_115 : memref<128xf32, #tpu.memory_space<vmem>>)
    %dma_wait3A_121 = arith.constant 2 : i32
    %dma_wait3A_122 = arith.constant 2 : i32
    %dma_wait3A_123 = arith.constant 0 : i32
    %dma_wait3A_124 = tpu.memref_slice %arg6[%dma_wait3A_122, %dma_wait3A_123] : memref<4x256xf32, #tpu.memory_space<vmem>> -> memref<1x128xf32, #tpu.memory_space<vmem>>
    %dma_wait3A_125 = tpu.memref_squeeze %dma_wait3A_124 : memref<1x128xf32, #tpu.memory_space<vmem>> -> memref<128xf32, #tpu.memory_space<vmem>>
    %dma_wait3A_126 = arith.constant 0 : i32
    %dma_wait3A_127 = tpu.memref_slice %arg5[%dma_wait3A_121, %dma_wait3A_126] : memref<4x256xi32, #tpu.memory_space<vmem>> -> memref<1x128xi32, #tpu.memory_space<vmem>>
    %dma_wait3A_128 = tpu.memref_squeeze %dma_wait3A_127 : memref<1x128xi32, #tpu.memory_space<vmem>> -> memref<128xi32, #tpu.memory_space<vmem>>
    %dma_wait3A_129 = arith.constant 0 : i32
    %dma_wait3A_130 = tpu.memref_slice %arg3[%dma_wait3A_129] : memref<65536xf32, #tpu.memory_space<hbm>> -> memref<65536xf32, #tpu.memory_space<hbm>>
    tpu.wait_indirect_dma semaphore(%arg7 : memref<!tpu.dma_semaphore, #tpu.memory_space<semaphore_mem>>) src(%dma_wait3A_130 : memref<65536xf32, #tpu.memory_space<hbm>>) dst(%dma_wait3A_125 : memref<128xf32, #tpu.memory_space<vmem>>)
    %dma_wait3A_131 = arith.constant 2 : i32
    %dma_wait3A_132 = arith.constant 2 : i32
    %dma_wait3A_133 = arith.constant 128 : i32
    %dma_wait3A_134 = tpu.memref_slice %arg6[%dma_wait3A_132, %dma_wait3A_133] : memref<4x256xf32, #tpu.memory_space<vmem>> -> memref<1x128xf32, #tpu.memory_space<vmem>>
    %dma_wait3A_135 = tpu.memref_squeeze %dma_wait3A_134 : memref<1x128xf32, #tpu.memory_space<vmem>> -> memref<128xf32, #tpu.memory_space<vmem>>
    %dma_wait3A_136 = arith.constant 128 : i32
    %dma_wait3A_137 = tpu.memref_slice %arg5[%dma_wait3A_131, %dma_wait3A_136] : memref<4x256xi32, #tpu.memory_space<vmem>> -> memref<1x128xi32, #tpu.memory_space<vmem>>
    %dma_wait3A_138 = tpu.memref_squeeze %dma_wait3A_137 : memref<1x128xi32, #tpu.memory_space<vmem>> -> memref<128xi32, #tpu.memory_space<vmem>>
    %dma_wait3A_139 = arith.constant 0 : i32
    %dma_wait3A_140 = tpu.memref_slice %arg3[%dma_wait3A_139] : memref<65536xf32, #tpu.memory_space<hbm>> -> memref<65536xf32, #tpu.memory_space<hbm>>
    tpu.wait_indirect_dma semaphore(%arg7 : memref<!tpu.dma_semaphore, #tpu.memory_space<semaphore_mem>>) src(%dma_wait3A_140 : memref<65536xf32, #tpu.memory_space<hbm>>) dst(%dma_wait3A_135 : memref<128xf32, #tpu.memory_space<vmem>>)
    %dma_wait3A_141 = arith.constant 3 : i32
    %dma_wait3A_142 = arith.constant 3 : i32
    %dma_wait3A_143 = arith.constant 0 : i32
    %dma_wait3A_144 = tpu.memref_slice %arg6[%dma_wait3A_142, %dma_wait3A_143] : memref<4x256xf32, #tpu.memory_space<vmem>> -> memref<1x128xf32, #tpu.memory_space<vmem>>
    %dma_wait3A_145 = tpu.memref_squeeze %dma_wait3A_144 : memref<1x128xf32, #tpu.memory_space<vmem>> -> memref<128xf32, #tpu.memory_space<vmem>>
    %dma_wait3A_146 = arith.constant 0 : i32
    %dma_wait3A_147 = tpu.memref_slice %arg5[%dma_wait3A_141, %dma_wait3A_146] : memref<4x256xi32, #tpu.memory_space<vmem>> -> memref<1x128xi32, #tpu.memory_space<vmem>>
    %dma_wait3A_148 = tpu.memref_squeeze %dma_wait3A_147 : memref<1x128xi32, #tpu.memory_space<vmem>> -> memref<128xi32, #tpu.memory_space<vmem>>
    %dma_wait3A_149 = arith.constant 0 : i32
    %dma_wait3A_150 = tpu.memref_slice %arg3[%dma_wait3A_149] : memref<65536xf32, #tpu.memory_space<hbm>> -> memref<65536xf32, #tpu.memory_space<hbm>>
    tpu.wait_indirect_dma semaphore(%arg7 : memref<!tpu.dma_semaphore, #tpu.memory_space<semaphore_mem>>) src(%dma_wait3A_150 : memref<65536xf32, #tpu.memory_space<hbm>>) dst(%dma_wait3A_145 : memref<128xf32, #tpu.memory_space<vmem>>)
    %dma_wait3A_151 = arith.constant 3 : i32
    %dma_wait3A_152 = arith.constant 3 : i32
    %dma_wait3A_153 = arith.constant 128 : i32
    %dma_wait3A_154 = tpu.memref_slice %arg6[%dma_wait3A_152, %dma_wait3A_153] : memref<4x256xf32, #tpu.memory_space<vmem>> -> memref<1x128xf32, #tpu.memory_space<vmem>>
    %dma_wait3A_155 = tpu.memref_squeeze %dma_wait3A_154 : memref<1x128xf32, #tpu.memory_space<vmem>> -> memref<128xf32, #tpu.memory_space<vmem>>
    %dma_wait3A_156 = arith.constant 128 : i32
    %dma_wait3A_157 = tpu.memref_slice %arg5[%dma_wait3A_151, %dma_wait3A_156] : memref<4x256xi32, #tpu.memory_space<vmem>> -> memref<1x128xi32, #tpu.memory_space<vmem>>
    %dma_wait3A_158 = tpu.memref_squeeze %dma_wait3A_157 : memref<1x128xi32, #tpu.memory_space<vmem>> -> memref<128xi32, #tpu.memory_space<vmem>>
    %dma_wait3A_159 = arith.constant 0 : i32
    %dma_wait3A_160 = tpu.memref_slice %arg3[%dma_wait3A_159] : memref<65536xf32, #tpu.memory_space<hbm>> -> memref<65536xf32, #tpu.memory_space<hbm>>
    tpu.wait_indirect_dma semaphore(%arg7 : memref<!tpu.dma_semaphore, #tpu.memory_space<semaphore_mem>>) src(%dma_wait3A_160 : memref<65536xf32, #tpu.memory_space<hbm>>) dst(%dma_wait3A_155 : memref<128xf32, #tpu.memory_space<vmem>>)
    "tpu.region"() ({
      %run_scoped3A = tpu.sem_alloc : memref<!tpu.dma_semaphore, #tpu.memory_space<semaphore_mem>>
      %dma_start3A_161 = arith.constant 0 : i32
      %dma_start3A_162 = tpu.memref_slice %arg4[%mul3A_2, %dma_start3A_161] : memref<128x256xf32, #tpu.memory_space<hbm>> -> memref<4x256xf32, #tpu.memory_space<hbm>>
      %dma_start3A_163 = arith.constant 0 : i32
      %dma_start3A_164 = tpu.memref_slice %arg4[%mul3A_2, %dma_start3A_163] : memref<128x256xf32, #tpu.memory_space<hbm>> -> memref<4x256xf32, #tpu.memory_space<hbm>>
      tpu.enqueue_dma source(%arg6 : memref<4x256xf32, #tpu.memory_space<vmem>>) target(%dma_start3A_164 : memref<4x256xf32, #tpu.memory_space<hbm>>) target_semaphore(%run_scoped3A : memref<!tpu.dma_semaphore, #tpu.memory_space<semaphore_mem>>)
      %dma_wait3A_165 = arith.constant 0 : i32
      %dma_wait3A_166 = tpu.memref_slice %arg4[%mul3A_2, %dma_wait3A_165] : memref<128x256xf32, #tpu.memory_space<hbm>> -> memref<4x256xf32, #tpu.memory_space<hbm>>
      %dma_wait3A_167 = arith.constant 0 : i32
      %dma_wait3A_168 = tpu.memref_slice %arg4[%mul3A_2, %dma_wait3A_167] : memref<128x256xf32, #tpu.memory_space<hbm>> -> memref<4x256xf32, #tpu.memory_space<hbm>>
      tpu.wait_dma2 semaphore(%run_scoped3A : memref<!tpu.dma_semaphore, #tpu.memory_space<semaphore_mem>>) src(%arg6 : memref<4x256xf32, #tpu.memory_space<vmem>>) dst(%dma_wait3A_168 : memref<4x256xf32, #tpu.memory_space<hbm>>)
      tpu.yield
    }) : () -> ()
    return
  }
}

module attributes {stable_mosaic.version = 14 : i64} {
  func.func @_table_body(%arg0: memref<128x256xf32, #tpu.memory_space<vmem>>, %arg1: memref<8x16xf32, #tpu.memory_space<vmem>>, %arg2: memref<8xf32, #tpu.memory_space<vmem>>, %arg3: memref<4x8xf32, #tpu.memory_space<vmem>>, %arg4: memref<4xf32, #tpu.memory_space<vmem>>, %arg5: memref<8x16xf32, #tpu.memory_space<vmem>>, %arg6: memref<8xf32, #tpu.memory_space<vmem>>, %arg7: memref<4x8xf32, #tpu.memory_space<vmem>>, %arg8: memref<4xf32, #tpu.memory_space<vmem>>, %arg9: memref<8x8xf32, #tpu.memory_space<vmem>>, %arg10: memref<4x4xf32, #tpu.memory_space<vmem>>, %arg11: memref<1x16xf32, #tpu.memory_space<vmem>>, %arg12: memref<65536xf32, #tpu.memory_space<vmem>>, %arg13: memref<128x256xi32, #tpu.memory_space<vmem>>) attributes {dimension_semantics = [], scalar_prefetch = 0 : i64, scratch_operands = 0 : i64, tpu.core_type = #tpu.core_type<tc>} {
    %get3A = arith.constant 0 : index
    %get3A_0 = arith.constant 0 : index
    %get3A_1 = vector.load %arg0[%get3A, %get3A_0] : memref<128x256xf32, #tpu.memory_space<vmem>>, vector<128x256xf32>
    %mul3A = arith.constant 6.553600e+04 : f32
    %mul3A_2 = vector.broadcast %mul3A : f32 to vector<128x256xf32>
    %mul3A_3 = arith.mulf %get3A_1, %mul3A_2 : vector<128x256xf32>
    %add3A = arith.constant 6.553500e+04 : f32
    %add3A_4 = vector.broadcast %add3A : f32 to vector<128x256xf32>
    %add3A_5 = arith.addf %mul3A_3, %add3A_4 : vector<128x256xf32>
    %mul3A_6 = arith.constant 5.000000e-01 : f32
    %mul3A_7 = vector.broadcast %mul3A_6 : f32 to vector<128x256xf32>
    %mul3A_8 = arith.mulf %add3A_5, %mul3A_7 : vector<128x256xf32>
    %add3A_9 = arith.constant 5.000000e-01 : f32
    %add3A_10 = vector.broadcast %add3A_9 : f32 to vector<128x256xf32>
    %add3A_11 = arith.addf %mul3A_8, %add3A_10 : vector<128x256xf32>
    %convert_element_type3A = arith.fptosi %add3A_11 : vector<128x256xf32> to vector<128x256xi32>
    %jit3A = arith.constant 0 : i32
    %jit3A_12 = arith.constant 65535 : i32
    %max3A = vector.broadcast %jit3A : i32 to vector<128x256xi32>
    %max3A_13 = arith.maxsi %max3A, %convert_element_type3A : vector<128x256xi32>
    %min3A = vector.broadcast %jit3A_12 : i32 to vector<128x256xi32>
    %min3A_14 = arith.minsi %min3A, %max3A_13 : vector<128x256xi32>
    %sub3A = arith.constant 1 : i32
    %sub3A_15 = vector.broadcast %sub3A : i32 to vector<128x256xi32>
    %sub3A_16 = arith.subi %min3A_14, %sub3A_15 : vector<128x256xi32>
    %max3A_17 = arith.constant 0 : i32
    %max3A_18 = vector.broadcast %max3A_17 : i32 to vector<128x256xi32>
    %max3A_19 = arith.maxsi %sub3A_16, %max3A_18 : vector<128x256xi32>
    %add3A_20 = arith.constant 1 : i32
    %add3A_21 = vector.broadcast %add3A_20 : i32 to vector<128x256xi32>
    %add3A_22 = arith.addi %min3A_14, %add3A_21 : vector<128x256xi32>
    %min3A_23 = arith.constant 65535 : i32
    %min3A_24 = vector.broadcast %min3A_23 : i32 to vector<128x256xi32>
    %min3A_25 = arith.minsi %add3A_22, %min3A_24 : vector<128x256xi32>
    %mul3A_26 = arith.constant 2 : i32
    %mul3A_27 = vector.broadcast %mul3A_26 : i32 to vector<128x256xi32>
    %mul3A_28 = arith.muli %max3A_19, %mul3A_27 : vector<128x256xi32>
    %sub3A_29 = arith.constant 65535 : i32
    %sub3A_30 = vector.broadcast %sub3A_29 : i32 to vector<128x256xi32>
    %sub3A_31 = arith.subi %mul3A_28, %sub3A_30 : vector<128x256xi32>
    %convert_element_type3A_32 = arith.sitofp %sub3A_31 : vector<128x256xi32> to vector<128x256xf32>
    %mul3A_33 = arith.constant 1.52587891E-5 : f32
    %mul3A_34 = vector.broadcast %mul3A_33 : f32 to vector<128x256xf32>
    %mul3A_35 = arith.mulf %convert_element_type3A_32, %mul3A_34 : vector<128x256xf32>
    %sub3A_36 = arith.subf %get3A_1, %mul3A_35 : vector<128x256xf32>
    %abs3A = math.absf %sub3A_36 : vector<128x256xf32>
    %mul3A_37 = arith.constant 2 : i32
    %mul3A_38 = vector.broadcast %mul3A_37 : i32 to vector<128x256xi32>
    %mul3A_39 = arith.muli %min3A_14, %mul3A_38 : vector<128x256xi32>
    %sub3A_40 = arith.constant 65535 : i32
    %sub3A_41 = vector.broadcast %sub3A_40 : i32 to vector<128x256xi32>
    %sub3A_42 = arith.subi %mul3A_39, %sub3A_41 : vector<128x256xi32>
    %convert_element_type3A_43 = arith.sitofp %sub3A_42 : vector<128x256xi32> to vector<128x256xf32>
    %mul3A_44 = arith.constant 1.52587891E-5 : f32
    %mul3A_45 = vector.broadcast %mul3A_44 : f32 to vector<128x256xf32>
    %mul3A_46 = arith.mulf %convert_element_type3A_43, %mul3A_45 : vector<128x256xf32>
    %sub3A_47 = arith.subf %get3A_1, %mul3A_46 : vector<128x256xf32>
    %abs3A_48 = math.absf %sub3A_47 : vector<128x256xf32>
    %mul3A_49 = arith.constant 2 : i32
    %mul3A_50 = vector.broadcast %mul3A_49 : i32 to vector<128x256xi32>
    %mul3A_51 = arith.muli %min3A_25, %mul3A_50 : vector<128x256xi32>
    %sub3A_52 = arith.constant 65535 : i32
    %sub3A_53 = vector.broadcast %sub3A_52 : i32 to vector<128x256xi32>
    %sub3A_54 = arith.subi %mul3A_51, %sub3A_53 : vector<128x256xi32>
    %convert_element_type3A_55 = arith.sitofp %sub3A_54 : vector<128x256xi32> to vector<128x256xf32>
    %mul3A_56 = arith.constant 1.52587891E-5 : f32
    %mul3A_57 = vector.broadcast %mul3A_56 : f32 to vector<128x256xf32>
    %mul3A_58 = arith.mulf %convert_element_type3A_55, %mul3A_57 : vector<128x256xf32>
    %sub3A_59 = arith.subf %get3A_1, %mul3A_58 : vector<128x256xf32>
    %abs3A_60 = math.absf %sub3A_59 : vector<128x256xf32>
    %le3A = arith.cmpf ole, %abs3A, %abs3A_48 : vector<128x256xf32>
    %le3A_61 = arith.cmpf ole, %abs3A, %abs3A_60 : vector<128x256xf32>
    %and3A = arith.andi %le3A, %le3A_61 : vector<128x256xi1>
    %le3A_62 = arith.cmpf ole, %abs3A_48, %abs3A_60 : vector<128x256xf32>
    %select_n3A = arith.select %le3A_62, %min3A_14, %min3A_25 : vector<128x256xi1>, vector<128x256xi32>
    %select_n3A_63 = arith.select %and3A, %max3A_19, %select_n3A : vector<128x256xi1>, vector<128x256xi32>
    %swap3A = arith.constant 0 : index
    %swap3A_64 = arith.constant 0 : index
    %swap3A_65 = vector.load %arg13[%swap3A, %swap3A_64] : memref<128x256xi32, #tpu.memory_space<vmem>>, vector<128x256xi32>
    tpu.vector_store %arg13[%swap3A, %swap3A_64], %select_n3A_63 {strides = array<i32>} : memref<128x256xi32, #tpu.memory_space<vmem>>, vector<128x256xi32>,
    %iota3A = tpu.iota {dimensions = array<i32: 0>} : vector<16x1xi32>
    %iota3A_66 = tpu.iota {dimensions = array<i32: 1>} : vector<16x65536xi32>
    %not3A = arith.constant dense<-1> : vector<16x65536xi32>
    %not3A_67 = arith.xori %iota3A_66, %not3A : vector<16x65536xi32>
    %sub3A_68 = arith.constant 31 : i32
    %sub3A_69 = vector.broadcast %sub3A_68 : i32 to vector<16x1xi32>
    %sub3A_70 = arith.subi %sub3A_69, %iota3A : vector<16x1xi32>
    %shift_left3A = vector.broadcast %sub3A_70 : vector<16x1xi32> to vector<16x65536xi32>
    %shift_left3A_71 = arith.shli %not3A_67, %shift_left3A : vector<16x65536xi32>
    %and3A_72 = arith.constant -2147483648 : i32
    %and3A_73 = vector.broadcast %and3A_72 : i32 to vector<16x65536xi32>
    %and3A_74 = arith.andi %shift_left3A_71, %and3A_73 : vector<16x65536xi32>
    %or3A = arith.constant 1065353216 : i32
    %or3A_75 = vector.broadcast %or3A : i32 to vector<16x65536xi32>
    %or3A_76 = arith.ori %and3A_74, %or3A_75 : vector<16x65536xi32>
    %bitcast_convert_type3A = tpu.bitcast %or3A_76 : vector<16x65536xi32> -> vector<16x65536xf32>
    %get3A_77 = arith.constant 0 : index
    %get3A_78 = arith.constant 0 : index
    %get3A_79 = vector.load %arg9[%get3A_77, %get3A_78] : memref<8x8xf32, #tpu.memory_space<vmem>>, vector<8x8xf32>
    %get3A_80 = arith.constant 0 : index
    %get3A_81 = vector.load %arg2[%get3A_80] : memref<8xf32, #tpu.memory_space<vmem>>, vector<8xf32>
    %reshape3A = vector.shape_cast %get3A_81 : vector<8xf32> to vector<1x8xf32>
    %dot_general3A = arith.constant dense<0.000000e+00> : vector<8x1xf32>
    %dot_general3A_82 = tpu.matmul %get3A_79, %reshape3A, %dot_general3A {dimension_numbers = #tpu.dot_dimension_numbers<[1], [1], [0], [0], [0, 0, 1, 0], [], []>, transpose_lhs_hint = false} : vector<8x8xf32>, vector<1x8xf32>, vector<8x1xf32> -> vector<8x1xf32>
    %get3A_83 = arith.constant 0 : index
    %get3A_84 = arith.constant 0 : index
    %get3A_85 = vector.load %arg10[%get3A_83, %get3A_84] : memref<4x4xf32, #tpu.memory_space<vmem>>, vector<4x4xf32>
    %get3A_86 = arith.constant 0 : index
    %get3A_87 = vector.load %arg4[%get3A_86] : memref<4xf32, #tpu.memory_space<vmem>>, vector<4xf32>
    %reshape3A_88 = vector.shape_cast %get3A_87 : vector<4xf32> to vector<1x4xf32>
    %dot_general3A_89 = arith.constant dense<0.000000e+00> : vector<4x1xf32>
    %dot_general3A_90 = tpu.matmul %get3A_85, %reshape3A_88, %dot_general3A_89 {dimension_numbers = #tpu.dot_dimension_numbers<[1], [1], [0], [0], [0, 0, 1, 0], [], []>, transpose_lhs_hint = false} : vector<4x4xf32>, vector<1x4xf32>, vector<4x1xf32> -> vector<4x1xf32>
    %get3A_91 = arith.constant 0 : index
    %get3A_92 = arith.constant 0 : index
    %get3A_93 = vector.load %arg1[%get3A_91, %get3A_92] : memref<8x16xf32, #tpu.memory_space<vmem>>, vector<8x16xf32>
    %dot_general3A_94 = arith.constant dense<0.000000e+00> : vector<8x65536xf32>
    %dot_general3A_95 = tpu.matmul %get3A_93, %bitcast_convert_type3A, %dot_general3A_94 {dimension_numbers = #tpu.dot_dimension_numbers<[1], [0], [0], [1], [0, 0, 1, 1], [], []>, transpose_lhs_hint = false} : vector<8x16xf32>, vector<16x65536xf32>, vector<8x65536xf32> -> vector<8x65536xf32>
    %add3A_96 = vector.broadcast %dot_general3A_82 : vector<8x1xf32> to vector<8x65536xf32>
    %add3A_97 = arith.addf %dot_general3A_95, %add3A_96 : vector<8x65536xf32>
    %max3A_98 = arith.constant 0.000000e+00 : f32
    %max3A_99 = vector.broadcast %max3A_98 : f32 to vector<8x65536xf32>
    %max3A_100 = arith.maximumf %add3A_97, %max3A_99 : vector<8x65536xf32>
    %get3A_101 = arith.constant 0 : index
    %get3A_102 = arith.constant 0 : index
    %get3A_103 = vector.load %arg3[%get3A_101, %get3A_102] : memref<4x8xf32, #tpu.memory_space<vmem>>, vector<4x8xf32>
    %dot_general3A_104 = arith.constant dense<0.000000e+00> : vector<4x65536xf32>
    %dot_general3A_105 = tpu.matmul %get3A_103, %max3A_100, %dot_general3A_104 {dimension_numbers = #tpu.dot_dimension_numbers<[1], [0], [0], [1], [0, 0, 1, 1], [], []>, transpose_lhs_hint = false} : vector<4x8xf32>, vector<8x65536xf32>, vector<4x65536xf32> -> vector<4x65536xf32>
    %add3A_106 = vector.broadcast %dot_general3A_90 : vector<4x1xf32> to vector<4x65536xf32>
    %add3A_107 = arith.addf %dot_general3A_105, %add3A_106 : vector<4x65536xf32>
    %sign3A = tpu.bitcast %add3A_107 : vector<4x65536xf32> -> vector<4x65536xi32>
    %sign3A_108 = arith.constant -2147483648 : i32
    %sign3A_109 = vector.broadcast %sign3A_108 : i32 to vector<4x65536xi32>
    %sign3A_110 = arith.andi %sign3A, %sign3A_109 : vector<4x65536xi32>
    %sign3A_111 = arith.constant 1065353216 : i32
    %sign3A_112 = vector.broadcast %sign3A_111 : i32 to vector<4x65536xi32>
    %sign3A_113 = arith.ori %sign3A_112, %sign3A_110 : vector<4x65536xi32>
    %sign3A_114 = tpu.bitcast %sign3A_113 : vector<4x65536xi32> -> vector<4x65536xf32>
    %sign3A_115 = math.absf %add3A_107 : vector<4x65536xf32>
    %sign3A_116 = arith.constant 0.000000e+00 : f32
    %sign3A_117 = vector.broadcast %sign3A_116 : f32 to vector<4x65536xf32>
    %sign3A_118 = arith.cmpf ogt, %sign3A_115, %sign3A_117 : vector<4x65536xf32>
    %sign3A_119 = arith.select %sign3A_118, %sign3A_114, %add3A_107 : vector<4x65536xi1>, vector<4x65536xf32>
    %get3A_120 = arith.constant 0 : index
    %get3A_121 = arith.constant 0 : index
    %get3A_122 = vector.load %arg11[%get3A_120, %get3A_121] : memref<1x16xf32, #tpu.memory_space<vmem>>, vector<1x16xf32>
    %get3A_123 = arith.constant 0 : index
    %get3A_124 = arith.constant 0 : index
    %get3A_125 = vector.load %arg5[%get3A_123, %get3A_124] : memref<8x16xf32, #tpu.memory_space<vmem>>, vector<8x16xf32>
    %dot_general3A_126 = arith.constant dense<0.000000e+00> : vector<1x8xf32>
    %dot_general3A_127 = tpu.matmul %get3A_122, %get3A_125, %dot_general3A_126 {dimension_numbers = #tpu.dot_dimension_numbers<[1], [1], [0], [0], [0, 0, 1, 0], [], []>, transpose_lhs_hint = false} : vector<1x16xf32>, vector<8x16xf32>, vector<1x8xf32> -> vector<1x8xf32>
    %get3A_128 = arith.constant 0 : index
    %get3A_129 = vector.load %arg6[%get3A_128] : memref<8xf32, #tpu.memory_space<vmem>>, vector<8xf32>
    %reshape3A_130 = vector.shape_cast %get3A_129 : vector<8xf32> to vector<1x8xf32>
    %add3A_131 = arith.addf %dot_general3A_127, %reshape3A_130 : vector<1x8xf32>
    %max3A_132 = arith.constant 0.000000e+00 : f32
    %max3A_133 = vector.broadcast %max3A_132 : f32 to vector<1x8xf32>
    %max3A_134 = arith.maximumf %add3A_131, %max3A_133 : vector<1x8xf32>
    %get3A_135 = arith.constant 0 : index
    %get3A_136 = arith.constant 0 : index
    %get3A_137 = vector.load %arg7[%get3A_135, %get3A_136] : memref<4x8xf32, #tpu.memory_space<vmem>>, vector<4x8xf32>
    %dot_general3A_138 = arith.constant dense<0.000000e+00> : vector<1x4xf32>
    %dot_general3A_139 = tpu.matmul %max3A_134, %get3A_137, %dot_general3A_138 {dimension_numbers = #tpu.dot_dimension_numbers<[1], [1], [0], [0], [0, 0, 1, 0], [], []>, transpose_lhs_hint = false} : vector<1x8xf32>, vector<4x8xf32>, vector<1x4xf32> -> vector<1x4xf32>
    %get3A_140 = arith.constant 0 : index
    %get3A_141 = vector.load %arg8[%get3A_140] : memref<4xf32, #tpu.memory_space<vmem>>, vector<4xf32>
    %reshape3A_142 = vector.shape_cast %get3A_141 : vector<4xf32> to vector<1x4xf32>
    %add3A_143 = arith.addf %dot_general3A_139, %reshape3A_142 : vector<1x4xf32>
    %neg3A = arith.constant 0.000000e+00 : f32
    %neg3A_144 = vector.broadcast %neg3A : f32 to vector<1x4xf32>
    %neg3A_145 = arith.subf %neg3A_144, %add3A_143 : vector<1x4xf32>
    %exp3A = math.exp %neg3A_145 : vector<1x4xf32>
    %add3A_146 = arith.constant 1.000000e+00 : f32
    %add3A_147 = vector.broadcast %add3A_146 : f32 to vector<1x4xf32>
    %add3A_148 = arith.addf %add3A_147, %exp3A : vector<1x4xf32>
    %div3A = arith.constant 1.000000e+00 : f32
    %div3A_149 = vector.broadcast %div3A : f32 to vector<1x4xf32>
    %div3A_150 = arith.divf %div3A_149, %add3A_148 : vector<1x4xf32>
    %dot_general3A_151 = arith.constant dense<0.000000e+00> : vector<1x65536xf32>
    %dot_general3A_152 = tpu.matmul %div3A_150, %sign3A_119, %dot_general3A_151 {dimension_numbers = #tpu.dot_dimension_numbers<[1], [0], [0], [1], [0, 0, 1, 1], [], []>, transpose_lhs_hint = false} : vector<1x4xf32>, vector<4x65536xf32>, vector<1x65536xf32> -> vector<1x65536xf32>
    %reshape3A_153 = vector.shape_cast %dot_general3A_152 : vector<1x65536xf32> to vector<65536xf32>
    %swap3A_154 = arith.constant 0 : index
    %swap3A_155 = vector.load %arg12[%swap3A_154] : memref<65536xf32, #tpu.memory_space<vmem>>, vector<65536xf32>
    tpu.vector_store %arg12[%swap3A_154], %reshape3A_153 {strides = array<i32>} : memref<65536xf32, #tpu.memory_space<vmem>>, vector<65536xf32>,
    return
  }
}

</mosaic_0001>

<sc_bundles>
// kernel: kernel.4.cloned.1.call-start
scs
__scs_entry_jumppad:
0x0: {  	(pc) =	sbr.rel $0x88, $3  }
0x1: {  	(tag) =	ssettag $0x0;
	lr =	simm.s32 $0x1  }
0x2: {  	[smem:$0x3F98] =	sst lr;
	_ =	strace $0xD0000000  }
0x3: {  	_ = 	snop  }
0x4: {  	_ = 	snop  }
0x5: {  	_ = 	snop  }
0x6: {  	_ = 	snop  }
0x7: {  	_ = 	snop  }
__scs_overlays_trampoline_lowered:
0x8: {  	[smem:$0x3FA7] =	sst s0  }
0x9: {  	[smem:$0x3FA8] =	sst s1  }
0xa: {  	[smem:$0x3FA9] =	sst s2  }
0xb: {  	[smem:$0x3FAA] =	sst s3  }
0xc: {  	[smem:$0x3FAB] =	sst s4  }
0xd: {  	[smem:$0x3FAC] =	sst s5  }
0xe: {  	[smem:$0x3FAD] =	sst s6  }
0xf: {  	[smem:$0x3FAE] =	sst s7  }
0x10: {  	[smem:$0x3FAF] =	sst s8  }
0x11: {  	[smem:$0x3FB0] =	sst s9;
	s0 =	simm.s32 @!p0 $0x0  }
0x12: {  	s1 =	sld [smem:$0x3F96];
	s0 =	simm.s32 @p0 $0x1  }
0x13: {  	[smem:$0x3FB1] =	sst s0;
	s0 =	simm.s32 @!p1 $0x0  }
0x14: {  	s2 =	sld [smem:$0x3F95];
	s0 =	simm.s32 @p1 $0x1  }
0x15: {  	[smem:$0x3FB2] =	sst s0;
	s0 =	simm.s32 @!p2 $0x0  }
0x16: {  	s3 =	sld [smem:$0x3FDB];
	s0 =	simm.s32 @p2 $0x1  }
0x17: {  	s4 =	simm.s32 $0x1BF5;
	[smem:$0x3FB4] =	sst s0  }
0x18: {  	s0 =	sld [smem:$0x3F97];
	_ =	swait.ge [sflag:s4], $0x0  }
0x19: {  	s7 =	sld [smem:$0x3F98]  }
0x1a: {  	s8 =	sadd.s32 $0xFFFFE003, lr  }
0x1b: {  	s9 =	sadd.s32 $0xFFFFFEF7, lr;
	s5 =	simm.s32 $0xFFFFFFFF;
	p2 =	slt.u32 s8, $0xFFFFF086  }
0x1c: {  	p1 =	slt.u32 s9, $0xF7A;
	s5 =	simm.s32 @!p2 $0x0  }
0x1d: {  	s5 =	simm.s32 @p1 $0x1;
	p0 =	seq.s32 s7, s2  }
0x1e: {  	s7 =	smul.u32 @!p0 $0xF7A, s2;
	p2 =	seq.s32 @!p0 s5, $0x0  }
0x1f: {  	s9 =	smul.u32 $0xF7A, s1;
	s8 =	simm.s32 @!p0 $0x1BF5;
	p2 =	por !p2, p0  }
0x20: {  	[sflag:s8] =	ssyncset.s32 @!p0 $0xFFFFF086;
	s6 =	sadd.s32 @!p0 s3, s7;
	s7 =	simm.s32 @!p0 $0x108  }
0x21: {  	s3 =	sadd.s32 s3, s9;
	s6 =	sadd.s32 @!p0 $0x88, s6;
	s7 =	simm.s32 @p2 $0x1082  }
0x22: {  	[simem:s7], [sflag:s8] =	dma.local @!p0 [hbm:s6], $0xF7A  }
0x23: {  	s9 =	sor.u32 $0xD0000000, s2;
	s6 =	simm.s32 $0x108;
	_ =	swait.ge @!p0 [sflag:s8], $0x0  }
0x24: {  	s3 =	sadd.s32 $0x88, s3;
	s6 =	simm.s32 @!p1 $0x1082;
	[sflag:s4] =	ssyncset.s32 $0xFFFFF086  }
0x25: {  	[simem:s6], [sflag:s4] =	dma.local [hbm:s3], $0xF7A  }
0x26: {  	[smem:$0x3F98] =	sst s1;
	(tag) =	ssettag s2;
	_ =	strace s9  }
0x27: {  	s1 =	sld [smem:$0x3FA8]  }
0x28: {  	s2 =	sld [smem:$0x3FA9]  }
0x29: {  	s4 =	sld [smem:$0x3FAB]  }
0x2a: {  	p0 =	seq.s32 s5, $0x0;
	s5 =	sld [smem:$0x3FAC]  }
0x2b: {  	s6 =	sld [smem:$0x3FAD]  }
0x2c: {  	s7 =	sld [smem:$0x3FAE]  }
0x2d: {  	s3 =	simm.s32 $0x108;
	s8 =	sld [smem:$0x3FAF]  }
0x2e: {  	s3 =	simm.s32 @!p0 $0x1082;
	s9 =	sld [smem:$0x3FB0]  }
0x2f: {  	lr =	sadd.s32 s0, s3;
	s0 =	sld [smem:$0x3FA7]  }
0x30: {  	s3 =	sld [smem:$0x3FAA]  }
0x31: {  	[smem:$0x3FB3] =	sst s10  }
0x32: {  	s10 =	sld [smem:$0x3FB1];
	_ =	sdelay $0x3  }
0x33: {  	p0 =	seq.s32 s10, $0x1;
	s10 =	sld [smem:$0x3FB3];
	_ =	sdelay $0x3  }
0x34: {  	[smem:$0x3FB3] =	sst s10  }
0x35: {  	s10 =	sld [smem:$0x3FB2];
	_ =	sdelay $0x3  }
0x36: {  	p1 =	seq.s32 s10, $0x1;
	s10 =	sld [smem:$0x3FB3];
	_ =	sdelay $0x3  }
0x37: {  	[smem:$0x3FB3] =	sst s10  }
0x38: {  	s10 =	sld [smem:$0x3FB4]  }
0x39: {  	_ = 	snop;
	(pc) =	sbr.ind lr, $3  }
0x3a: {  	_ = 	snop  }
0x3b: {  	_ = 	snop  }
0x3c: {  	p2 =	seq.s32 s10, $0x1;
	s10 =	sld [smem:$0x3FB3]  }
0x3d: {  	_ =	shalt  }
0x3e: {  	_ =	shalt  }
0x3f: {  	_ =	shalt  }
0x40: {  	_ =	shalt  }
0x41: {  	_ =	shalt  }
0x42: {  	_ =	shalt  }
0x43: {  	_ =	shalt  }
0x44: {  	_ =	shalt  }
0x45: {  	_ =	shalt  }
0x46: {  	_ =	shalt  }
0x47: {  	_ =	shalt  }
0x48: {  	_ =	shalt  }
0x49: {  	_ =	shalt  }
0x4a: {  	_ =	shalt  }
0x4b: {  	_ =	shalt  }
0x4c: {  	_ =	shalt  }
0x4d: {  	_ =	shalt  }
0x4e: {  	_ =	shalt  }
0x4f: {  	_ =	shalt  }
0x50: {  	_ =	shalt  }
0x51: {  	_ =	shalt  }
0x52: {  	_ =	shalt  }
0x53: {  	_ =	shalt  }
0x54: {  	_ =	shalt  }
0x55: {  	_ =	shalt  }
0x56: {  	_ =	shalt  }
0x57: {  	_ =	shalt  }
0x58: {  	_ =	shalt  }
0x59: {  	_ =	shalt  }
0x5a: {  	_ =	shalt  }
0x5b: {  	_ =	shalt  }
0x5c: {  	_ =	shalt  }
0x5d: {  	_ =	shalt  }
0x5e: {  	_ =	shalt  }
0x5f: {  	_ =	shalt  }
0x60: {  	_ =	shalt  }
0x61: {  	_ =	shalt  }
0x62: {  	_ =	shalt  }
0x63: {  	_ =	shalt  }
0x64: {  	_ =	shalt  }
0x65: {  	_ =	shalt  }
0x66: {  	_ =	shalt  }
0x67: {  	_ =	shalt  }
0x68: {  	_ =	shalt  }
0x69: {  	_ =	shalt  }
0x6a: {  	_ =	shalt  }
0x6b: {  	_ =	shalt  }
0x6c: {  	_ =	shalt  }
0x6d: {  	_ =	shalt  }
0x6e: {  	_ =	shalt  }
0x6f: {  	_ =	shalt  }
0x70: {  	_ =	shalt  }
0x71: {  	_ =	shalt  }
0x72: {  	_ =	shalt  }
0x73: {  	_ =	shalt  }
0x74: {  	_ =	shalt  }
0x75: {  	_ =	shalt  }
0x76: {  	_ =	shalt  }
0x77: {  	_ =	shalt  }
0x78: {  	_ =	shalt  }
0x79: {  	_ =	shalt  }
0x7a: {  	_ =	shalt  }
0x7b: {  	_ =	shalt  }
0x7c: {  	_ =	shalt  }
0x7d: {  	_ =	shalt  }
0x7e: {  	_ =	shalt  }
0x7f: {  	_ =	shalt  }
0x80: {  	_ =	shalt  }
0x81: {  	_ =	shalt  }
0x82: {  	_ =	shalt  }
0x83: {  	_ =	shalt  }
0x84: {  	_ =	shalt  }
0x85: {  	_ =	shalt  }
0x86: {  	_ =	shalt  }
0x87: {  	_ =	shalt  }
.Lfunc_end0:
.L_simem_size_0:
called_computation_lowered:
.L_overlay_start_0:
0x88: {  	s2 =	sld [smem:$0x3FD9]  }
0x89: {  	s3 =	sld [smem:$0x3FFE];
	_ =	sdelay $0x1  }
0x8a: {  	s1 =	srdreg.scid  }
0x8b: {  	s0 =	sand.u32 $0x1, s1  }
0x8c: {  	s17 =	sshll.u32 s0, $0xA;
	s2 =	sadd.s32 s3, s2  }
0x8d: {  	s2 =	sadd.s32 s2, s17  }
0x8e: {  	[smem:$0x3FBF] =	sst s2  }
0x8f: {  	_ = 	snop  }
0x90: {  	s2 =	sld [smem:$0x3FD0];
	(tm) =	ssettm $0x1  }
0x91: {  	s18 =	sld [smem:$0x3FFB];
	_ =	sdelay $0x3  }
0x92: {  	_ =	strace s18  }
0x93: {  	s3 =	sld [smem:$0x3FFC];
	_ =	sdelay $0x3  }
0x94: {  	_ =	strace s3  }
0x95: {  	s3 =	sld [smem:$0x3FFD];
	_ =	sdelay $0x3  }
0x96: {  	_ =	strace s3  }
0x97: {  	_ =	strace $0x8FFFFFFF  }
0x98: {  	s19 =	sld [smem:$0x3FDB];
	_ =	sdelay $0x1  }
0x99: {  	s4 =	simm.s32 $_scs_section_size  }
0x9a: {  	s5 =	simm.s32 $_size__tile_overlayer_lowered;
	s6 =	simm.s32 $_tile_overlayer_lowered  }
0x9b: {  	s22 =	simm.s32 $0x1BFF;
	s21 =	sshll.u32 s6, $0x1;
	s3 =	sadd.s32 s4, s19  }
0x9c: {  	s7 =	simm.s32 $0x0;
	s20 =	sshll.u32 s5, $0x1;
	s5 =	sadd.s32 s21, s3  }
0x9d: {  	[timem:s7], [sflag:s22] =	dma.local [hbm:s5], s20  }
0x9e: {  	_ =	swait.ge [sflag:s22], s20  }
0x9f: {  	s4 =	ssub.s32 $0x0, s20;
	[sflag:s22] =	ssyncset.done $0x0  }
0xa0: {  	[sflag:s22] =	ssyncadd.s32 s4;
	_ =	sdelay $0x1  }
0xa1: {  	s23 =	simm.s32 $0x1B8B  }
0xa2: {  	_ =	swait.ge [sflag:s23], $0x1  }
0xa3: {  	[sflag:s23] =	ssyncset.done $0x0  }
0xa4: {  	s25 =	simm.s32 $0x1B8E;
	s24 =	sld [smem:$0x3FFE];
	[sflag:s23] =	ssyncadd.s32 $0xFFFFFFFF  }
0xa5: {  	s26 =	simm.s32 $execute0_lowered;
	[smem:$0x3FD2] =	sst s25  }
0xa6: {  	s5 =	sshll.u32 s26, $0x1;
	_ =	strace $0x80000046;
	[dreg:$0x1] =	wrdreg $0xFFFFFFFF  }
0xa7: {  	s28 =	simm.s32 $_size_execute0_lowered;
	s3 =	sadd.s32 s3, s5;
	[dreg:$0x0] =	wrdreg $0x0  }
0xa8: {  	s5 =	sshll.u32 s28, $0x1;
	[dreg:$0x2] =	wrdreg s3  }
0xa9: {  	[dreg:$0x3] =	wrdreg s5  }
0xaa: {  	[dreg:$0x4] =	wrdreg $0xC0  }
0xab: {  	_ =	task [dreg:s7], $0x5FFFF  }
0xac: {  	[dreg:$0x1] =	wrdreg $0xFFFFFFFF  }
0xad: {  	[dreg:$0x0] =	wrdreg $0x60  }
0xae: {  	[dreg:$0x2] =	wrdreg s24  }
0xaf: {  	[dreg:$0x3] =	wrdreg s2  }
0xb0: {  	[dreg:$0x4] =	wrdreg $0x9  }
0xb1: {  	_ =	task.clear_ibuf [dreg:s7], $0x5FFFF;
	_ =	strace $0x90000046  }
0xb2: {  	s29 =	simm.s32 $0x9;
	_ =	strace $0x80000048  }
0xb3: {  	_ =	swait.ge [sflag:s29], $0x1  }
0xb4: {  	[sflag:s29] =	ssyncadd.s32 $0xFFFFFFFF  }
0xb5: {  	_ =	strace $0x90000048  }
0xb6: {  	_ =	sfence  }
0xb7: {  	s30 =	sld [smem:$0x0];
	_ =	sdelay $0x2  }
0xb8: {  	s31 =	sshll.u32 s1, $0xD;
	s1 =	sshrl.u32 s1, $0x2  }
0xb9: {  	s3 =	sand.u32 $0x4000, s31;
	s1 =	sadd.s32 s1, s30  }
0xba: {  	s0 =	sor.u32 s3, s0;
	s1 =	sshll.u32 s1, $0x11  }
0xbb: {  	s0 =	sor.u32 s1, s0  }
0xbc: {  	s0 =	sadd.s32 $0x8F2B, s0  }
0xbd: {  	[sflag:s0] =	ssyncadd.remote.s32 $0x1  }
0xbe: {  	_ =	sfence.sel $0xFFFF  }
0xbf: {  	[dreg:$0x0] =	wrdreg $0xFFFFFFFF;
	(pc) =	sbr.abs _section_cstart, $3  }
0xc0: {  	[dreg:$0x1] =	wrdreg $0xFFFFFFFF  }
0xc1: {  	_ =	task.clear_ibuf [dreg:s7], $0x2FFFF;
	_ =	strace $0x9FFFFFFF  }
0xc2: {  	(tm) =	ssettm $0x7FFFFFFF  }
0xc3: {  	_ =	shalt  }
tec
execute0_lowered:
.L_overlay_start_1:
0x0: {  	(tag) =	ssettag $0x1  }
0x1: {  	s1 =	srdreg.scid;
	s7 =	rddreg [dreg:$0x0]  }
0x2: {  	s0 =	stileid.u32;
	s22 =	rddreg [dreg:$0x1];
	s23 =	sand.u32 $0x1, s1  }
0x3: {  	s2 =	simm.s32 $0x0;
	s3 =	sshll.u32 s0, $0x8;
	s4 =	sshll.u32 s23, $0x6  }
0x4: {  	s6 =	simm.s32 $0x400;
	s1 =	rddreg [dreg:$0x2];
	s24 =	sor.u32 s4, s3  }
0x5: {  	s5 =	simm.s32 $0x2;
	[smem:$0x7FF] =	sst s2;
	s3 =	sadd.s32 s24, s7  }
0x6: {  	_ =	strace $0x80000047;
	s4 =	simm.s32 $0x200;
	s3 =	sadd.s32 $0x4200, s3  }
0x7: {  	[tilespmem:s2], [sflag:$0x2] =	stream.strided.gather [hbm4b:s3+s4], $0x400, s6, s4, $0x38;
	[tilespmem:$0x800] =	vst v63  }
0x8: {  	_ =	swait.ge [sflag:s5], $0x400  }
0x9: {  	[sflag:s5] =	ssyncset.done $0x0  }
0xa: {  	s8 =	simm.s32 $0x80;
	s7 =	sadd.s32 $0x2200, s7;
	[sflag:s5] =	ssyncadd.s32 $0xFFFFFC00  }
0xb: {  	[tilespmem:s6], [sflag:$0x1] =	stream.indirect.gather [hbm4b:s7+s8], $0x1, s2, s8, $0xb8;
	[tilespmem:$0x800] =	vst v63  }
0xc: {  	s9 =	simm.s32 $0x600  }
0xd: {  	[tilespmem:s9], [sflag:$0x1] =	stream.indirect.gather [hbm4b:s7+s8], $0x1, s4, s8, $0xb8;
	[tilespmem:$0x800] =	vst v63  }
0xe: {  	s10 =	simm.s32 $0x480  }
0xf: {  	[tilespmem:s10], [sflag:$0x1] =	stream.indirect.gather [hbm4b:s7+s8], $0x1, s8, s8, $0xb8;
	[tilespmem:$0x800] =	vst v63  }
0x10: {  	s11 =	simm.s32 $0x280;
	s12 =	simm.s32 $0x680  }
0x11: {  	[tilespmem:s12], [sflag:$0x1] =	stream.indirect.gather [hbm4b:s7+s8], $0x1, s11, s8, $0xb8;
	[tilespmem:$0x800] =	vst v63  }
0x12: {  	s13 =	simm.s32 $0x100;
	s14 =	simm.s32 $0x500  }
0x13: {  	[tilespmem:s14], [sflag:$0x1] =	stream.indirect.gather [hbm4b:s7+s8], $0x1, s13, s8, $0xb8;
	[tilespmem:$0x800] =	vst v63  }
0x14: {  	s15 =	simm.s32 $0x300;
	s16 =	simm.s32 $0x700  }
0x15: {  	[tilespmem:s16], [sflag:$0x1] =	stream.indirect.gather [hbm4b:s7+s8], $0x1, s15, s8, $0xb8;
	[tilespmem:$0x800] =	vst v63  }
0x16: {  	s17 =	simm.s32 $0x180;
	s18 =	simm.s32 $0x580  }
0x17: {  	[tilespmem:s18], [sflag:$0x1] =	stream.indirect.gather [hbm4b:s7+s8], $0x1, s17, s8, $0xb8;
	[tilespmem:$0x800] =	vst v63  }
0x18: {  	s19 =	simm.s32 $0x380;
	s20 =	simm.s32 $0x780;
	s21 =	simm.s32 $0x1  }
0x19: {  	[tilespmem:s20], [sflag:$0x1] =	stream.indirect.gather [hbm4b:s7+s8], $0x1, s19, s8, $0xb8;
	[tilespmem:$0x800] =	vst v63  }
0x1a: {  	_ =	swait.ge [sflag:s21], $0x80  }
0x1b: {  	[sflag:s21] =	ssyncset.done $0x0  }
0x1c: {  	[sflag:s21] =	ssyncadd.s32 $0xFFFFFF80  }
0x1d: {  	_ =	swait.ge [sflag:s21], $0x80  }
0x1e: {  	[sflag:s21] =	ssyncset.done $0x0  }
0x1f: {  	[sflag:s21] =	ssyncadd.s32 $0xFFFFFF80  }
0x20: {  	_ =	swait.ge [sflag:s21], $0x80  }
0x21: {  	[sflag:s21] =	ssyncset.done $0x0  }
0x22: {  	[sflag:s21] =	ssyncadd.s32 $0xFFFFFF80  }
0x23: {  	_ =	swait.ge [sflag:s21], $0x80  }
0x24: {  	[sflag:s21] =	ssyncset.done $0x0  }
0x25: {  	[sflag:s21] =	ssyncadd.s32 $0xFFFFFF80  }
0x26: {  	_ =	swait.ge [sflag:s21], $0x80  }
0x27: {  	[sflag:s21] =	ssyncset.done $0x0  }
0x28: {  	[sflag:s21] =	ssyncadd.s32 $0xFFFFFF80  }
0x29: {  	_ =	swait.ge [sflag:s21], $0x80  }
0x2a: {  	[sflag:s21] =	ssyncset.done $0x0  }
0x2b: {  	s23 =	ssub.s32 $0x2, s23;
	[sflag:s21] =	ssyncadd.s32 $0xFFFFFF80  }
0x2c: {  	s25 =	sshrl.u32 s23, $0x1;
	_ =	swait.ge [sflag:s21], $0x80  }
0x2d: {  	s23 =	ssub.s32 s23, s25;
	[sflag:s21] =	ssyncset.done $0x0  }
0x2e: {  	s23 =	smax.u32 s23, $0x1;
	[sflag:s21] =	ssyncadd.s32 $0xFFFFFF80  }
0x2f: {  	p0 =	sne.s32 s23, $0x1;
	_ =	swait.ge [sflag:s21], $0x80  }
.Ltmp0:
0x30: {  	[sflag:s21] =	ssyncset.done $0x0;
	(pc) =	sbr.rel @!p0 .LBB2_2-.Ltmp0, $4  }
0x31: {  	s22 =	sadd.s32 s22, s24;
	[sflag:s21] =	ssyncadd.s32 $0xFFFFFF80  }
0x32: {  	[hbm4b:s22+s4] =	stream.strided.scatter [tilespmem:s6], [sflag:$0x2], $0x400, s6, s4, $0x38;
	[tilespmem:$0x800] =	vst v63  }
0x33: {  	_ =	swait.ge [sflag:s5], $0x400  }
0x34: {  	s23 =	sadd.s32 $0xFFFFFFFF, s23;
	[sflag:s5] =	ssyncset.done $0x0  }
.LBB2_1:
0x35: {  	p0 =	sne.s32 s23, $0x1;
	s23 =	sadd.s32 $0xFFFFFFFF, s23;
	[sflag:s5] =	ssyncadd.s32 $0xFFFFFC00  }
0x36: {  	[tilespmem:s2], [sflag:$0x2] =	stream.strided.gather [hbm4b:s3+s4], $0x400, s6, s4, $0x38;
	[tilespmem:$0x800] =	vst v63  }
0x37: {  	_ =	swait.ge [sflag:s5], $0x400  }
0x38: {  	[sflag:s5] =	ssyncset.done $0x0  }
0x39: {  	[sflag:s5] =	ssyncadd.s32 $0xFFFFFC00  }
0x3a: {  	[tilespmem:s6], [sflag:$0x1] =	stream.indirect.gather [hbm4b:s7+s8], $0x1, s2, s8, $0xb8;
	[tilespmem:$0x800] =	vst v63  }
0x3b: {  	_ = 	snop  }
0x3c: {  	[tilespmem:s9], [sflag:$0x1] =	stream.indirect.gather [hbm4b:s7+s8], $0x1, s4, s8, $0xb8;
	[tilespmem:$0x800] =	vst v63  }
0x3d: {  	_ = 	snop  }
0x3e: {  	[tilespmem:s10], [sflag:$0x1] =	stream.indirect.gather [hbm4b:s7+s8], $0x1, s8, s8, $0xb8;
	[tilespmem:$0x800] =	vst v63  }
0x3f: {  	_ = 	snop  }
0x40: {  	[tilespmem:s12], [sflag:$0x1] =	stream.indirect.gather [hbm4b:s7+s8], $0x1, s11, s8, $0xb8;
	[tilespmem:$0x800] =	vst v63  }
0x41: {  	_ = 	snop  }
0x42: {  	[tilespmem:s14], [sflag:$0x1] =	stream.indirect.gather [hbm4b:s7+s8], $0x1, s13, s8, $0xb8;
	[tilespmem:$0x800] =	vst v63  }
0x43: {  	_ = 	snop  }
0x44: {  	[tilespmem:s16], [sflag:$0x1] =	stream.indirect.gather [hbm4b:s7+s8], $0x1, s15, s8, $0xb8;
	[tilespmem:$0x800] =	vst v63  }
0x45: {  	_ = 	snop  }
0x46: {  	[tilespmem:s18], [sflag:$0x1] =	stream.indirect.gather [hbm4b:s7+s8], $0x1, s17, s8, $0xb8;
	[tilespmem:$0x800] =	vst v63  }
0x47: {  	_ = 	snop  }
0x48: {  	[tilespmem:s20], [sflag:$0x1] =	stream.indirect.gather [hbm4b:s7+s8], $0x1, s19, s8, $0xb8;
	[tilespmem:$0x800] =	vst v63  }
0x49: {  	_ =	swait.ge [sflag:s21], $0x80  }
0x4a: {  	[sflag:s21] =	ssyncset.done $0x0  }
0x4b: {  	[sflag:s21] =	ssyncadd.s32 $0xFFFFFF80  }
0x4c: {  	_ =	swait.ge [sflag:s21], $0x80  }
0x4d: {  	[sflag:s21] =	ssyncset.done $0x0  }
0x4e: {  	[sflag:s21] =	ssyncadd.s32 $0xFFFFFF80  }
0x4f: {  	_ =	swait.ge [sflag:s21], $0x80  }
0x50: {  	[sflag:s21] =	ssyncset.done $0x0  }
0x51: {  	[sflag:s21] =	ssyncadd.s32 $0xFFFFFF80  }
0x52: {  	_ =	swait.ge [sflag:s21], $0x80  }
0x53: {  	[sflag:s21] =	ssyncset.done $0x0  }
0x54: {  	[sflag:s21] =	ssyncadd.s32 $0xFFFFFF80  }
0x55: {  	_ =	swait.ge [sflag:s21], $0x80  }
0x56: {  	[sflag:s21] =	ssyncset.done $0x0  }
0x57: {  	[sflag:s21] =	ssyncadd.s32 $0xFFFFFF80  }
0x58: {  	_ =	swait.ge [sflag:s21], $0x80  }
0x59: {  	[sflag:s21] =	ssyncset.done $0x0  }
0x5a: {  	[sflag:s21] =	ssyncadd.s32 $0xFFFFFF80  }
0x5b: {  	_ =	swait.ge [sflag:s21], $0x80  }
0x5c: {  	[sflag:s21] =	ssyncset.done $0x0  }
0x5d: {  	[sflag:s21] =	ssyncadd.s32 $0xFFFFFF80  }
0x5e: {  	_ =	swait.ge [sflag:s21], $0x80  }
.Ltmp1:
0x5f: {  	[sflag:s21] =	ssyncset.done $0x0;
	(pc) =	sbr.rel @p0 .LBB2_1-.Ltmp1, $4  }
0x60: {  	[sflag:s21] =	ssyncadd.s32 $0xFFFFFF80  }
0x61: {  	[hbm4b:s22+s4] =	stream.strided.scatter [tilespmem:s6], [sflag:$0x2], $0x400, s6, s4, $0x38;
	[tilespmem:$0x800] =	vst v63  }
0x62: {  	_ =	swait.ge [sflag:s5], $0x400  }
0x63: {  	[sflag:s5] =	ssyncset.done $0x0  }
.LBB2_2:
0x64: {  	[sflag:s5] =	ssyncadd.s32 $0xFFFFFC00  }
0x65: {  	_ =	sfence.sel $0x180000  }
0x66: {  	[bflag:$0x0] =	sbarrier.arrive $0xFFFF  }
0x67: {  	p0 =	sne.s32 s0, $0x0;
	_ =	strace $0x90000047  }
0x68: {  	s0 =	sadd.s32 @!p0 $0x100000, s1;
	[bflag:$0x2] =	sbarrier.arrive $0xFFFF  }
0x69: {  	[sflag:s0] =	ssyncadd.tile.s32 @!p0 $0x1;
	_ =	shalt  }
.Lfunc_end2:
_tile_overlayer_lowered:
.L_overlay_start_2:
0x6a: {  	(tag) =	ssettag $0x2  }
0x6b: {  	s0 =	rddreg [dreg:$0x0];
	s2 =	stileid.u32  }
0x6c: {  	s1 =	rddreg [dreg:$0x1];
	p0 =	sne.s32 s2, $0x0  }
0x6d: {  	s3 =	rddreg [dreg:$0x2];
	[bflag:$0x3] =	sbarrier.arrive $0xFFFF;
	s2 =	simm.s32 @!p0 $0x1C02  }
0x6e: {  	[timem:s3], [sflag:s2] =	dma.local @!p0 [hbm:s0], s1  }
0x6f: {  	s0 =	simm.s32 @!p0 $0x2  }
0x70: {  	_ =	swait.ge @!p0 [sflag:s0], s1  }
0x71: {  	s1 =	ssub.s32 @!p0 $0x0, s1;
	[sflag:s0] =	ssyncset.done @!p0 $0x0  }
0x72: {  	[sflag:s0] =	ssyncadd.s32 @!p0 s1  }
0x73: {  	[bflag:$0x3] =	sbarrier.arrive $0xFFFF  }
0x74: {  	_ =	shalt  }

</sc_bundles>
